<compile_context>
chip_gen: v7x
topology: tpu7x:2x2x1
jax: 0.10.2.dev20260603
libtpu: 0.0.44.dev20260713+nightly
codegen_flags: <defaults>
</compile_context>

<pallas_src>
import functools

import jax
import jax.numpy as jnp
from jax import lax
from jax.experimental import pallas as pl
from jax.experimental.pallas import tpu as pltpu
from jax.experimental.pallas import tpu_sc as plsc

_CB = 8192
_D = 32
_TM = 1024
_KC = 2048
_NKC = _CB // _KC
_RND = 4096 // _KC


def _c2_body(ct_ref, c2_ref):
    c = ct_ref[...]
    c2_ref[...] = jnp.sum(c * c, axis=0, keepdims=True)


def _sq_norms(ct):
    return pl.pallas_call(
        _c2_body,
        grid=(1,),
        in_specs=[pl.BlockSpec((_D, _CB), lambda i: (0, 0))],
        out_specs=pl.BlockSpec((1, _CB), lambda i: (0, 0)),
        out_shape=jax.ShapeDtypeStruct((1, _CB), jnp.float32),
    )(ct)


def _vq_argmin_body(zt_ref, ctm2_ref, c2_ref, tok_ref):
    zt = zt_ref[...]
    z2 = jnp.sum(zt * zt, axis=0, keepdims=True)
    norm = jnp.sqrt(z2)
    mnorm = jnp.maximum(norm, 1e-12)
    znt = zt / mnorm
    x2 = jnp.sum(znt * znt, axis=0, keepdims=True)
    znt_bf = znt.astype(jnp.bfloat16)
    iota = lax.broadcasted_iota(jnp.int32, (_KC, _TM), 0)
    big = jnp.int32(2**30)

    run_min = jnp.full((1, _TM), jnp.inf, jnp.float32)
    run_idx = jnp.zeros((1, _TM), jnp.int32)
    for kk in range(_NKC):
        ctb = ctm2_ref[:, kk * _KC:(kk + 1) * _KC]
        c2b = c2_ref[kk * _KC:(kk + 1) * _KC, :]
        zct2 = lax.dot_general(ctb, znt_bf, (((0,), (0,)), ((), ())),
                               preferred_element_type=jnp.float32)
        d2 = x2 + c2b + zct2
        dd = jnp.where(d2 <= 0.0, 0.0, d2 * lax.rsqrt(d2))
        minv = jnp.min(dd, axis=0, keepdims=True)
        idx = jnp.min(jnp.where(dd == minv, iota, big),
                      axis=0, keepdims=True) + kk * _KC
        upd = minv < run_min
        run_idx = jnp.where(upd, idx, run_idx)
        run_min = jnp.where(upd, minv, run_min)
        if kk % _RND == _RND - 1:
            run_min = run_min.astype(jnp.bfloat16).astype(jnp.float32)
    tok_ref[...] = run_idx.reshape(1, 1, _TM)


def _vq_argmin(zt, ctm2, c2col):
    n_rows = zt.shape[1]
    grid = n_rows // _TM
    return pl.pallas_call(
        _vq_argmin_body,
        grid=(grid,),
        in_specs=[
            pl.BlockSpec((_D, _TM), lambda i: (0, i)),
            pl.BlockSpec((_D, _CB), lambda i: (0, 0)),
            pl.BlockSpec((_CB, 1), lambda i: (0, 0)),
        ],
        out_specs=pl.BlockSpec((1, 1, _TM), lambda i: (i, 0, 0)),
        out_shape=jax.ShapeDtypeStruct((grid, 1, _TM), jnp.int32),
    )(zt, ctm2, c2col)


_DP = 128


def _make_sc_gather(n_rows):
    info = plsc.get_sparse_core_info()
    nc, ns = info.num_cores, info.num_subcores
    nw = nc * ns
    b_per_w = n_rows // nw
    mesh = plsc.VectorSubcoreMesh(core_axis_name="c", subcore_axis_name="s")

    @functools.partial(
        pl.kernel,
        out_type=jax.ShapeDtypeStruct((n_rows, _DP), jnp.float32),
        mesh=mesh,
        scratch_types=[
            pltpu.VMEM((b_per_w,), jnp.int32),
            pltpu.VMEM((b_per_w, _DP), jnp.float32),
            pltpu.SemaphoreType.DMA,
        ],
    )
    def gather_kernel(table_hbm, idx_hbm, out_hbm, idx_v, rows_v, sem):
        wid = lax.axis_index("s") * nc + lax.axis_index("c")
        base = wid * b_per_w
        pltpu.sync_copy(idx_hbm.at[pl.ds(base, b_per_w)], idx_v)
        pltpu.async_copy(table_hbm.at[idx_v], rows_v, sem).wait()
        pltpu.sync_copy(rows_v, out_hbm.at[pl.ds(base, b_per_w)])

    return gather_kernel


_LB = 1024


def _loss_body(z_ref, q_ref, loss_ref):
    diff = z_ref[...] - q_ref[...][:, :_D]
    part = jnp.sum(diff * diff)

    @pl.when(pl.program_id(0) == 0)
    def _():
        loss_ref[0, 0] = part

    @pl.when(pl.program_id(0) != 0)
    def _():
        loss_ref[0, 0] += part


def _loss_sum(z_flat, qp):
    n_rows = z_flat.shape[0]
    return pl.pallas_call(
        _loss_body,
        grid=(n_rows // _LB,),
        in_specs=[
            pl.BlockSpec((_LB, _D), lambda i: (i, 0)),
            pl.BlockSpec((_LB, _DP), lambda i: (i, 0)),
        ],
        out_specs=pl.BlockSpec(memory_space=pltpu.SMEM, block_shape=(1, 1),
                               index_map=lambda i: (0, 0)),
        out_shape=jax.ShapeDtypeStruct((1, 1), jnp.float32),
    )(z_flat, qp)


def kernel(z, codebook):
    B, N, D = z.shape
    n_rows = B * N
    z_flat = z.reshape(n_rows, D)
    zt = z_flat.T
    ct = codebook.T
    ctm2 = (-2.0 * ct).astype(jnp.bfloat16)

    c2 = _sq_norms(ct)
    tok3 = _vq_argmin(zt, ctm2, c2.reshape(_CB, 1))
    tokens_flat = tok3.reshape(-1)

    cb_pad = jnp.pad(codebook, ((0, 0), (0, _DP - D)))
    qp = _make_sc_gather(n_rows)(cb_pad, tokens_flat)
    q = qp[:, :D]

    loss_sum = _loss_sum(z_flat, qp)

    quantized = q.reshape(B, N, D)[:, None, :, :]
    tokens = tokens_flat.reshape(B, N)

    m = loss_sum[0, 0] / jnp.float32(n_rows * D)
    commitment_loss = jnp.float32(0.25) * m
    codebook_loss = m
    quantizer_loss = commitment_loss + codebook_loss
    return quantized, quantizer_loss, commitment_loss, codebook_loss, tokens

# --- scband reference (transcript-rebuilt; emitter-appended) ---
"""Pipeline reference for scband-vector-quantizer-38878043964076 (READ-ONLY COPY).

The authoritative reference and input builder live on the scoring server;
editing this copy changes nothing except your own understanding.
"""

import jax, jax.numpy as jnp
import numpy as np

CODEBOOK_SIZE = 8192
TOKEN_SIZE = 32
COMMITMENT_COST = 0.25


def setup_inputs(seed: int = 0) -> dict:
    key = jax.random.key(seed)
    k1, k2 = jax.random.split(key)
    z = jax.random.normal(k1, (16, 1024, 32), dtype=jnp.float32)
    lim = 1.0 / TOKEN_SIZE
    codebook = jax.random.uniform(k2, (CODEBOOK_SIZE, TOKEN_SIZE), dtype=jnp.float32, minval=-lim, maxval=lim)
    return {"z": z, "codebook": codebook}


def reference(z, codebook):
    B, N, D = z.shape
    z_flat = z.reshape(-1, D)
    # F.normalize(p=2, dim=-1) with eps=1e-12
    norm = jnp.linalg.norm(z_flat, axis=-1, keepdims=True)
    z_norm = z_flat / jnp.maximum(norm, 1e-12)
    # torch.cdist(z_norm, codebook) -> euclidean distances
    x2 = jnp.sum(z_norm * z_norm, axis=1, keepdims=True)
    c2 = jnp.sum(codebook * codebook, axis=1)[None, :]
    d2 = x2 + c2 - 2.0 * (z_norm @ codebook.T)
    distances = jnp.sqrt(jnp.clip(d2, 0.0, None))
    tokens = jnp.argmin(distances, axis=-1)
    tokens = tokens.reshape(B, N)
    quantized = jnp.take(codebook, tokens, axis=0)  # (B, N, D)
    quantized = quantized[:, None, :, :]  # (B, 1, N, D)
    z4 = z[:, None, :, :]
    commitment_loss = COMMITMENT_COST * jnp.mean((z4 - jax.lax.stop_gradient(quantized)) ** 2)
    codebook_loss = jnp.mean((quantized - jax.lax.stop_gradient(z4)) ** 2)
    quantizer_loss = commitment_loss + codebook_loss
    quantized_st = z4 + jax.lax.stop_gradient(quantized - z4)
    return quantized_st, quantizer_loss, commitment_loss, codebook_loss, tokens

if __name__ == "__main__":
    import jax
    _d = setup_inputs()
    print(jax.jit(kernel)(*tuple(_d.values())))

</pallas_src>

<mosaic_0001>
#map = affine_map<(d0, d1) -> (0, 0)>
#map1 = affine_map<(d0, d1) -> (0)>
module attributes {stable_mosaic.version = 14 : i64} {
  func.func @gather_kernel(%arg0: i32, %arg1: i32, %arg2: memref<8192x128xf32, #tpu.memory_space<hbm>>, %arg3: memref<16384xi32, #tpu.memory_space<hbm>>, %arg4: memref<16384x128xf32, #tpu.memory_space<hbm>>, %arg5: memref<512xi32, #tpu.memory_space<vmem>>, %arg6: memref<512x128xf32, #tpu.memory_space<vmem>>, %arg7: memref<!tpu.dma_semaphore, #tpu.memory_space<semaphore_mem>>) attributes {dimension_semantics = [#tpu.dimension_semantics<core_parallel>, #tpu.dimension_semantics<subcore_parallel>], iteration_bounds = array<i64: 2, 16>, scalar_prefetch = 0 : i64, scratch_operands = 3 : i64, tpu.core_type = #tpu.core_type<sc_vector_subcore>, window_params = [{transform_indices = #map}, {transform_indices = #map1}, {transform_indices = #map}]} {
    %mul3A = arith.constant 2 : i32
    %mul3A_0 = arith.muli %arg1, %mul3A : i32
    %add3A = arith.addi %mul3A_0, %arg0 : i32
    %mul3A_1 = arith.constant 512 : i32
    %mul3A_2 = arith.muli %add3A, %mul3A_1 : i32
    "tpu.region"() ({
      %run_scoped3A = tpu.sem_alloc : memref<!tpu.dma_semaphore, #tpu.memory_space<semaphore_mem>>
      %dma_start3A_7 = tpu.memref_slice %arg3[%mul3A_2] : memref<16384xi32, #tpu.memory_space<hbm>> -> memref<512xi32, #tpu.memory_space<hbm>>
      %dma_start3A_8 = tpu.memref_slice %arg3[%mul3A_2] : memref<16384xi32, #tpu.memory_space<hbm>> -> memref<512xi32, #tpu.memory_space<hbm>>
      tpu.enqueue_dma source(%dma_start3A_8 : memref<512xi32, #tpu.memory_space<hbm>>) target(%arg5 : memref<512xi32, #tpu.memory_space<vmem>>) target_semaphore(%run_scoped3A : memref<!tpu.dma_semaphore, #tpu.memory_space<semaphore_mem>>)
      %dma_wait3A_9 = tpu.memref_slice %arg3[%mul3A_2] : memref<16384xi32, #tpu.memory_space<hbm>> -> memref<512xi32, #tpu.memory_space<hbm>>
      %dma_wait3A_10 = tpu.memref_slice %arg3[%mul3A_2] : memref<16384xi32, #tpu.memory_space<hbm>> -> memref<512xi32, #tpu.memory_space<hbm>>
      tpu.wait_dma2 semaphore(%run_scoped3A : memref<!tpu.dma_semaphore, #tpu.memory_space<semaphore_mem>>) src(%dma_wait3A_10 : memref<512xi32, #tpu.memory_space<hbm>>) dst(%arg5 : memref<512xi32, #tpu.memory_space<vmem>>)
      tpu.yield
    }) : () -> ()
    %dma_start3A = arith.constant 0 : i32
    %dma_start3A_3 = arith.constant 0 : i32
    %dma_start3A_4 = tpu.memref_slice %arg2[%dma_start3A, %dma_start3A_3] : memref<8192x128xf32, #tpu.memory_space<hbm>> -> memref<8192x128xf32, #tpu.memory_space<hbm>>
    tpu.enqueue_indirect_dma source(%dma_start3A_4 : memref<8192x128xf32, #tpu.memory_space<hbm>>) target(%arg6 : memref<512x128xf32, #tpu.memory_space<vmem>>) offsets(%arg5 : memref<512xi32, #tpu.memory_space<vmem>>) semaphore(%arg7 : memref<!tpu.dma_semaphore, #tpu.memory_space<semaphore_mem>>)
    %dma_wait3A = arith.constant 0 : i32
    %dma_wait3A_5 = arith.constant 0 : i32
    %dma_wait3A_6 = tpu.memref_slice %arg2[%dma_wait3A, %dma_wait3A_5] : memref<8192x128xf32, #tpu.memory_space<hbm>> -> memref<8192x128xf32, #tpu.memory_space<hbm>>
    tpu.wait_indirect_dma semaphore(%arg7 : memref<!tpu.dma_semaphore, #tpu.memory_space<semaphore_mem>>) src(%dma_wait3A_6 : memref<8192x128xf32, #tpu.memory_space<hbm>>) dst(%arg6 : memref<512x128xf32, #tpu.memory_space<vmem>>)
    "tpu.region"() ({
      %run_scoped3A = tpu.sem_alloc : memref<!tpu.dma_semaphore, #tpu.memory_space<semaphore_mem>>
      %dma_start3A_7 = arith.constant 0 : i32
      %dma_start3A_8 = tpu.memref_slice %arg4[%mul3A_2, %dma_start3A_7] : memref<16384x128xf32, #tpu.memory_space<hbm>> -> memref<512x128xf32, #tpu.memory_space<hbm>>
      %dma_start3A_9 = arith.constant 0 : i32
      %dma_start3A_10 = tpu.memref_slice %arg4[%mul3A_2, %dma_start3A_9] : memref<16384x128xf32, #tpu.memory_space<hbm>> -> memref<512x128xf32, #tpu.memory_space<hbm>>
      tpu.enqueue_dma source(%arg6 : memref<512x128xf32, #tpu.memory_space<vmem>>) target(%dma_start3A_10 : memref<512x128xf32, #tpu.memory_space<hbm>>) target_semaphore(%run_scoped3A : memref<!tpu.dma_semaphore, #tpu.memory_space<semaphore_mem>>)
      %dma_wait3A_11 = arith.constant 0 : i32
      %dma_wait3A_12 = tpu.memref_slice %arg4[%mul3A_2, %dma_wait3A_11] : memref<16384x128xf32, #tpu.memory_space<hbm>> -> memref<512x128xf32, #tpu.memory_space<hbm>>
      %dma_wait3A_13 = arith.constant 0 : i32
      %dma_wait3A_14 = tpu.memref_slice %arg4[%mul3A_2, %dma_wait3A_13] : memref<16384x128xf32, #tpu.memory_space<hbm>> -> memref<512x128xf32, #tpu.memory_space<hbm>>
      tpu.wait_dma2 semaphore(%run_scoped3A : memref<!tpu.dma_semaphore, #tpu.memory_space<semaphore_mem>>) src(%arg6 : memref<512x128xf32, #tpu.memory_space<vmem>>) dst(%dma_wait3A_14 : memref<512x128xf32, #tpu.memory_space<hbm>>)
      tpu.yield
    }) : () -> ()
    return
  }
}

module attributes {stable_mosaic.version = 14 : i64} {
  func.func @_c2_body(%arg0: i32, %arg1: memref<32x8192xf32, #tpu.memory_space<vmem>>, %arg2: memref<1x8192xf32, #tpu.memory_space<vmem>>) attributes {dimension_semantics = [#tpu.dimension_semantics<arbitrary>], iteration_bounds = array<i64: 1>, scalar_prefetch = 0 : i64, scratch_operands = 0 : i64, tpu.core_type = #tpu.core_type<tc>, window_params = [{pipeline_mode = #tpu.pipeline_mode<synchronous>, transform_indices = @transform_0, window_bounds = array<i64: 32, 8192>}, {pipeline_mode = #tpu.pipeline_mode<synchronous>, transform_indices = @transform_1, window_bounds = array<i64: 1, 8192>}]} {
    %get3A = arith.constant 0 : index
    %get3A_0 = arith.constant 0 : index
    %get3A_1 = vector.load %arg1[%get3A, %get3A_0] : memref<32x8192xf32, #tpu.memory_space<vmem>>, vector<32x8192xf32>
    %mul3A = arith.mulf %get3A_1, %get3A_1 : vector<32x8192xf32>
    %reduce_sum3A = arith.constant dense<0.000000e+00> : vector<8192xf32>
    %reduce_sum3A_2 = vector.multi_reduction <add>, %mul3A, %reduce_sum3A [0] : vector<32x8192xf32> to vector<8192xf32>
    %broadcast_in_dim3A = vector.shape_cast %reduce_sum3A_2 : vector<8192xf32> to vector<1x8192xf32>
    %swap3A = arith.constant 0 : index
    %swap3A_3 = arith.constant 0 : index
    %swap3A_4 = vector.load %arg2[%swap3A, %swap3A_3] : memref<1x8192xf32, #tpu.memory_space<vmem>>, vector<1x8192xf32>
    tpu.vector_store %arg2[%swap3A, %swap3A_3], %broadcast_in_dim3A {strides = array<i32>} : memref<1x8192xf32, #tpu.memory_space<vmem>>, vector<1x8192xf32>,
    return
  }
  func.func @transform_0(%arg0: i32) -> (i32, i32) {
    %c0_i32 = arith.constant 0 : i32
    %c0_i32_0 = arith.constant 0 : i32
    %c0_i32_1 = arith.constant 0 : i32
    return %c0_i32, %c0_i32_0 : i32, i32
  }
  func.func @transform_1(%arg0: i32) -> (i32, i32) {
    %c0_i32 = arith.constant 0 : i32
    %c0_i32_0 = arith.constant 0 : i32
    %c0_i32_1 = arith.constant 0 : i32
    return %c0_i32, %c0_i32_0 : i32, i32
  }
}

module attributes {stable_mosaic.version = 14 : i64} {
  func.func @_vq_argmin_body(%arg0: i32, %arg1: memref<32x1024xf32, #tpu.memory_space<vmem>>, %arg2: memref<32x8192xbf16, #tpu.memory_space<vmem>>, %arg3: memref<8192x1xf32, #tpu.memory_space<vmem>>, %arg4: memref<1x1x1024xi32, #tpu.memory_space<vmem>>) attributes {dimension_semantics = [#tpu.dimension_semantics<arbitrary>], iteration_bounds = array<i64: 16>, scalar_prefetch = 0 : i64, scratch_operands = 0 : i64, tpu.core_type = #tpu.core_type<tc>, window_params = [{transform_indices = @transform_0, window_bounds = array<i64: 32, 1024>}, {pipeline_mode = #tpu.pipeline_mode<synchronous>, transform_indices = @transform_1, window_bounds = array<i64: 32, 8192>}, {pipeline_mode = #tpu.pipeline_mode<synchronous>, transform_indices = @transform_2, window_bounds = array<i64: 8192, 1>}, {transform_indices = @transform_3, window_bounds = array<i64: 1, 1, 1024>}]} {
    %get3A = arith.constant 0 : index
    %get3A_0 = arith.constant 0 : index
    %get3A_1 = vector.load %arg1[%get3A, %get3A_0] : memref<32x1024xf32, #tpu.memory_space<vmem>>, vector<32x1024xf32>
    %mul3A = arith.mulf %get3A_1, %get3A_1 : vector<32x1024xf32>
    %reduce_sum3A = arith.constant dense<0.000000e+00> : vector<1024xf32>
    %reduce_sum3A_2 = vector.multi_reduction <add>, %mul3A, %reduce_sum3A [0] : vector<32x1024xf32> to vector<1024xf32>
    %broadcast_in_dim3A = vector.shape_cast %reduce_sum3A_2 : vector<1024xf32> to vector<1x1024xf32>
    %sqrt3A = math.sqrt %broadcast_in_dim3A : vector<1x1024xf32>
    %max3A = arith.constant 9.99999996E-13 : f32
    %max3A_3 = vector.broadcast %max3A : f32 to vector<1x1024xf32>
    %max3A_4 = arith.maximumf %sqrt3A, %max3A_3 : vector<1x1024xf32>
    %div3A = vector.broadcast %max3A_4 : vector<1x1024xf32> to vector<32x1024xf32>
    %div3A_5 = arith.divf %get3A_1, %div3A : vector<32x1024xf32>
    %mul3A_6 = arith.mulf %div3A_5, %div3A_5 : vector<32x1024xf32>
    %reduce_sum3A_7 = arith.constant dense<0.000000e+00> : vector<1024xf32>
    %reduce_sum3A_8 = vector.multi_reduction <add>, %mul3A_6, %reduce_sum3A_7 [0] : vector<32x1024xf32> to vector<1024xf32>
    %broadcast_in_dim3A_9 = vector.shape_cast %reduce_sum3A_8 : vector<1024xf32> to vector<1x1024xf32>
    %convert_element_type3A = arith.truncf %div3A_5 : vector<32x1024xf32> to vector<32x1024xbf16>
    %iota3A = tpu.iota {dimensions = array<i32: 0>} : vector<2048x1024xi32>
    %broadcast_in_dim3A_10 = arith.constant 0x7F800000 : f32
    %broadcast_in_dim3A_11 = vector.broadcast %broadcast_in_dim3A_10 : f32 to vector<1x1024xf32>
    %broadcast_in_dim3A_12 = arith.constant 0 : i32
    %broadcast_in_dim3A_13 = vector.broadcast %broadcast_in_dim3A_12 : i32 to vector<1x1024xi32>
    %get3A_14 = arith.constant 0 : index
    %get3A_15 = arith.constant 0 : index
    %get3A_16 = vector.load %arg2[%get3A_14, %get3A_15] : memref<32x8192xbf16, #tpu.memory_space<vmem>>, vector<32x2048xbf16>
    %get3A_17 = arith.constant 0 : index
    %get3A_18 = arith.constant 0 : index
    %get3A_19 = vector.load %arg3[%get3A_17, %get3A_18] : memref<8192x1xf32, #tpu.memory_space<vmem>>, vector<2048x1xf32>
    %dot_general3A = arith.constant dense<0.000000e+00> : vector<2048x1024xf32>
    %dot_general3A_20 = tpu.matmul %get3A_16, %convert_element_type3A, %dot_general3A {dimension_numbers = #tpu.dot_dimension_numbers<[0], [0], [1], [1], [0, 1, 1, 1], [], []>, transpose_lhs_hint = false} : vector<32x2048xbf16>, vector<32x1024xbf16>, vector<2048x1024xf32> -> vector<2048x1024xf32>
    %add3A = vector.broadcast %broadcast_in_dim3A_9 : vector<1x1024xf32> to vector<2048x1024xf32>
    %add3A_21 = vector.broadcast %get3A_19 : vector<2048x1xf32> to vector<2048x1024xf32>
    %add3A_22 = arith.addf %add3A, %add3A_21 : vector<2048x1024xf32>
    %add3A_23 = arith.addf %add3A_22, %dot_general3A_20 : vector<2048x1024xf32>
    %le3A = arith.constant 0.000000e+00 : f32
    %le3A_24 = vector.broadcast %le3A : f32 to vector<2048x1024xf32>
    %le3A_25 = arith.cmpf ole, %add3A_23, %le3A_24 : vector<2048x1024xf32>
    %rsqrt3A = math.rsqrt %add3A_23 : vector<2048x1024xf32>
    %mul3A_26 = arith.mulf %add3A_23, %rsqrt3A : vector<2048x1024xf32>
    %jit3A = arith.constant 0.000000e+00 : f32
    %broadcast_in_dim3A_27 = vector.broadcast %jit3A : f32 to vector<2048x1024xf32>
    %select_n3A = arith.select %le3A_25, %broadcast_in_dim3A_27, %mul3A_26 : vector<2048x1024xi1>, vector<2048x1024xf32>
    %reduce_min3A = arith.constant dense<0x7F800000> : vector<1024xf32>
    %reduce_min3A_28 = vector.multi_reduction <minimumf>, %select_n3A, %reduce_min3A [0] : vector<2048x1024xf32> to vector<1024xf32>
    %broadcast_in_dim3A_29 = vector.shape_cast %reduce_min3A_28 : vector<1024xf32> to vector<1x1024xf32>
    %eq3A = vector.broadcast %broadcast_in_dim3A_29 : vector<1x1024xf32> to vector<2048x1024xf32>
    %eq3A_30 = arith.cmpf oeq, %select_n3A, %eq3A : vector<2048x1024xf32>
    %jit3A_31 = arith.constant 1073741824 : i32
    %broadcast_in_dim3A_32 = vector.broadcast %jit3A_31 : i32 to vector<2048x1024xi32>
    %select_n3A_33 = arith.select %eq3A_30, %iota3A, %broadcast_in_dim3A_32 : vector<2048x1024xi1>, vector<2048x1024xi32>
    %reduce_min3A_34 = arith.constant dense<2147483647> : vector<1024xi32>
    %reduce_min3A_35 = vector.multi_reduction <minsi>, %select_n3A_33, %reduce_min3A_34 [0] : vector<2048x1024xi32> to vector<1024xi32>
    %broadcast_in_dim3A_36 = vector.shape_cast %reduce_min3A_35 : vector<1024xi32> to vector<1x1024xi32>
    %add3A_37 = arith.constant 0 : i32
    %add3A_38 = vector.broadcast %add3A_37 : i32 to vector<1x1024xi32>
    %add3A_39 = arith.addi %broadcast_in_dim3A_36, %add3A_38 : vector<1x1024xi32>
    %lt3A = arith.cmpf olt, %broadcast_in_dim3A_29, %broadcast_in_dim3A_11 : vector<1x1024xf32>
    %select_n3A_40 = arith.select %lt3A, %add3A_39, %broadcast_in_dim3A_13 : vector<1x1024xi1>, vector<1x1024xi32>
    %select_n3A_41 = arith.select %lt3A, %broadcast_in_dim3A_29, %broadcast_in_dim3A_11 : vector<1x1024xi1>, vector<1x1024xf32>
    %get3A_42 = arith.constant 0 : index
    %get3A_43 = arith.constant 2048 : index
    %get3A_44 = vector.load %arg2[%get3A_42, %get3A_43] : memref<32x8192xbf16, #tpu.memory_space<vmem>>, vector<32x2048xbf16>
    %get3A_45 = arith.constant 2048 : index
    %get3A_46 = arith.constant 0 : index
    %get3A_47 = vector.load %arg3[%get3A_45, %get3A_46] : memref<8192x1xf32, #tpu.memory_space<vmem>>, vector<2048x1xf32>
    %dot_general3A_48 = arith.constant dense<0.000000e+00> : vector<2048x1024xf32>
    %dot_general3A_49 = tpu.matmul %get3A_44, %convert_element_type3A, %dot_general3A_48 {dimension_numbers = #tpu.dot_dimension_numbers<[0], [0], [1], [1], [0, 1, 1, 1], [], []>, transpose_lhs_hint = false} : vector<32x2048xbf16>, vector<32x1024xbf16>, vector<2048x1024xf32> -> vector<2048x1024xf32>
    %add3A_50 = vector.broadcast %broadcast_in_dim3A_9 : vector<1x1024xf32> to vector<2048x1024xf32>
    %add3A_51 = vector.broadcast %get3A_47 : vector<2048x1xf32> to vector<2048x1024xf32>
    %add3A_52 = arith.addf %add3A_50, %add3A_51 : vector<2048x1024xf32>
    %add3A_53 = arith.addf %add3A_52, %dot_general3A_49 : vector<2048x1024xf32>
    %le3A_54 = arith.constant 0.000000e+00 : f32
    %le3A_55 = vector.broadcast %le3A_54 : f32 to vector<2048x1024xf32>
    %le3A_56 = arith.cmpf ole, %add3A_53, %le3A_55 : vector<2048x1024xf32>
    %rsqrt3A_57 = math.rsqrt %add3A_53 : vector<2048x1024xf32>
    %mul3A_58 = arith.mulf %add3A_53, %rsqrt3A_57 : vector<2048x1024xf32>
    %jit3A_59 = arith.constant 0.000000e+00 : f32
    %broadcast_in_dim3A_60 = vector.broadcast %jit3A_59 : f32 to vector<2048x1024xf32>
    %select_n3A_61 = arith.select %le3A_56, %broadcast_in_dim3A_60, %mul3A_58 : vector<2048x1024xi1>, vector<2048x1024xf32>
    %reduce_min3A_62 = arith.constant dense<0x7F800000> : vector<1024xf32>
    %reduce_min3A_63 = vector.multi_reduction <minimumf>, %select_n3A_61, %reduce_min3A_62 [0] : vector<2048x1024xf32> to vector<1024xf32>
    %broadcast_in_dim3A_64 = vector.shape_cast %reduce_min3A_63 : vector<1024xf32> to vector<1x1024xf32>
    %eq3A_65 = vector.broadcast %broadcast_in_dim3A_64 : vector<1x1024xf32> to vector<2048x1024xf32>
    %eq3A_66 = arith.cmpf oeq, %select_n3A_61, %eq3A_65 : vector<2048x1024xf32>
    %jit3A_67 = arith.constant 1073741824 : i32
    %broadcast_in_dim3A_68 = vector.broadcast %jit3A_67 : i32 to vector<2048x1024xi32>
    %select_n3A_69 = arith.select %eq3A_66, %iota3A, %broadcast_in_dim3A_68 : vector<2048x1024xi1>, vector<2048x1024xi32>
    %reduce_min3A_70 = arith.constant dense<2147483647> : vector<1024xi32>
    %reduce_min3A_71 = vector.multi_reduction <minsi>, %select_n3A_69, %reduce_min3A_70 [0] : vector<2048x1024xi32> to vector<1024xi32>
    %broadcast_in_dim3A_72 = vector.shape_cast %reduce_min3A_71 : vector<1024xi32> to vector<1x1024xi32>
    %add3A_73 = arith.constant 2048 : i32
    %add3A_74 = vector.broadcast %add3A_73 : i32 to vector<1x1024xi32>
    %add3A_75 = arith.addi %broadcast_in_dim3A_72, %add3A_74 : vector<1x1024xi32>
    %lt3A_76 = arith.cmpf olt, %broadcast_in_dim3A_64, %select_n3A_41 : vector<1x1024xf32>
    %select_n3A_77 = arith.select %lt3A_76, %add3A_75, %select_n3A_40 : vector<1x1024xi1>, vector<1x1024xi32>
    %select_n3A_78 = arith.select %lt3A_76, %broadcast_in_dim3A_64, %select_n3A_41 : vector<1x1024xi1>, vector<1x1024xf32>
    %convert_element_type3A_79 = arith.truncf %select_n3A_78 : vector<1x1024xf32> to vector<1x1024xbf16>
    %convert_element_type3A_80 = arith.extf %convert_element_type3A_79 : vector<1x1024xbf16> to vector<1x1024xf32>
    %get3A_81 = arith.constant 0 : index
    %get3A_82 = arith.constant 4096 : index
    %get3A_83 = vector.load %arg2[%get3A_81, %get3A_82] : memref<32x8192xbf16, #tpu.memory_space<vmem>>, vector<32x2048xbf16>
    %get3A_84 = arith.constant 4096 : index
    %get3A_85 = arith.constant 0 : index
    %get3A_86 = vector.load %arg3[%get3A_84, %get3A_85] : memref<8192x1xf32, #tpu.memory_space<vmem>>, vector<2048x1xf32>
    %dot_general3A_87 = arith.constant dense<0.000000e+00> : vector<2048x1024xf32>
    %dot_general3A_88 = tpu.matmul %get3A_83, %convert_element_type3A, %dot_general3A_87 {dimension_numbers = #tpu.dot_dimension_numbers<[0], [0], [1], [1], [0, 1, 1, 1], [], []>, transpose_lhs_hint = false} : vector<32x2048xbf16>, vector<32x1024xbf16>, vector<2048x1024xf32> -> vector<2048x1024xf32>
    %add3A_89 = vector.broadcast %broadcast_in_dim3A_9 : vector<1x1024xf32> to vector<2048x1024xf32>
    %add3A_90 = vector.broadcast %get3A_86 : vector<2048x1xf32> to vector<2048x1024xf32>
    %add3A_91 = arith.addf %add3A_89, %add3A_90 : vector<2048x1024xf32>
    %add3A_92 = arith.addf %add3A_91, %dot_general3A_88 : vector<2048x1024xf32>
    %le3A_93 = arith.constant 0.000000e+00 : f32
    %le3A_94 = vector.broadcast %le3A_93 : f32 to vector<2048x1024xf32>
    %le3A_95 = arith.cmpf ole, %add3A_92, %le3A_94 : vector<2048x1024xf32>
    %rsqrt3A_96 = math.rsqrt %add3A_92 : vector<2048x1024xf32>
    %mul3A_97 = arith.mulf %add3A_92, %rsqrt3A_96 : vector<2048x1024xf32>
    %jit3A_98 = arith.constant 0.000000e+00 : f32
    %broadcast_in_dim3A_99 = vector.broadcast %jit3A_98 : f32 to vector<2048x1024xf32>
    %select_n3A_100 = arith.select %le3A_95, %broadcast_in_dim3A_99, %mul3A_97 : vector<2048x1024xi1>, vector<2048x1024xf32>
    %reduce_min3A_101 = arith.constant dense<0x7F800000> : vector<1024xf32>
    %reduce_min3A_102 = vector.multi_reduction <minimumf>, %select_n3A_100, %reduce_min3A_101 [0] : vector<2048x1024xf32> to vector<1024xf32>
    %broadcast_in_dim3A_103 = vector.shape_cast %reduce_min3A_102 : vector<1024xf32> to vector<1x1024xf32>
    %eq3A_104 = vector.broadcast %broadcast_in_dim3A_103 : vector<1x1024xf32> to vector<2048x1024xf32>
    %eq3A_105 = arith.cmpf oeq, %select_n3A_100, %eq3A_104 : vector<2048x1024xf32>
    %jit3A_106 = arith.constant 1073741824 : i32
    %broadcast_in_dim3A_107 = vector.broadcast %jit3A_106 : i32 to vector<2048x1024xi32>
    %select_n3A_108 = arith.select %eq3A_105, %iota3A, %broadcast_in_dim3A_107 : vector<2048x1024xi1>, vector<2048x1024xi32>
    %reduce_min3A_109 = arith.constant dense<2147483647> : vector<1024xi32>
    %reduce_min3A_110 = vector.multi_reduction <minsi>, %select_n3A_108, %reduce_min3A_109 [0] : vector<2048x1024xi32> to vector<1024xi32>
    %broadcast_in_dim3A_111 = vector.shape_cast %reduce_min3A_110 : vector<1024xi32> to vector<1x1024xi32>
    %add3A_112 = arith.constant 4096 : i32
    %add3A_113 = vector.broadcast %add3A_112 : i32 to vector<1x1024xi32>
    %add3A_114 = arith.addi %broadcast_in_dim3A_111, %add3A_113 : vector<1x1024xi32>
    %lt3A_115 = arith.cmpf olt, %broadcast_in_dim3A_103, %convert_element_type3A_80 : vector<1x1024xf32>
    %select_n3A_116 = arith.select %lt3A_115, %add3A_114, %select_n3A_77 : vector<1x1024xi1>, vector<1x1024xi32>
    %select_n3A_117 = arith.select %lt3A_115, %broadcast_in_dim3A_103, %convert_element_type3A_80 : vector<1x1024xi1>, vector<1x1024xf32>
    %get3A_118 = arith.constant 0 : index
    %get3A_119 = arith.constant 6144 : index
    %get3A_120 = vector.load %arg2[%get3A_118, %get3A_119] : memref<32x8192xbf16, #tpu.memory_space<vmem>>, vector<32x2048xbf16>
    %get3A_121 = arith.constant 6144 : index
    %get3A_122 = arith.constant 0 : index
    %get3A_123 = vector.load %arg3[%get3A_121, %get3A_122] : memref<8192x1xf32, #tpu.memory_space<vmem>>, vector<2048x1xf32>
    %dot_general3A_124 = arith.constant dense<0.000000e+00> : vector<2048x1024xf32>
    %dot_general3A_125 = tpu.matmul %get3A_120, %convert_element_type3A, %dot_general3A_124 {dimension_numbers = #tpu.dot_dimension_numbers<[0], [0], [1], [1], [0, 1, 1, 1], [], []>, transpose_lhs_hint = false} : vector<32x2048xbf16>, vector<32x1024xbf16>, vector<2048x1024xf32> -> vector<2048x1024xf32>
    %add3A_126 = vector.broadcast %broadcast_in_dim3A_9 : vector<1x1024xf32> to vector<2048x1024xf32>
    %add3A_127 = vector.broadcast %get3A_123 : vector<2048x1xf32> to vector<2048x1024xf32>
    %add3A_128 = arith.addf %add3A_126, %add3A_127 : vector<2048x1024xf32>
    %add3A_129 = arith.addf %add3A_128, %dot_general3A_125 : vector<2048x1024xf32>
    %le3A_130 = arith.constant 0.000000e+00 : f32
    %le3A_131 = vector.broadcast %le3A_130 : f32 to vector<2048x1024xf32>
    %le3A_132 = arith.cmpf ole, %add3A_129, %le3A_131 : vector<2048x1024xf32>
    %rsqrt3A_133 = math.rsqrt %add3A_129 : vector<2048x1024xf32>
    %mul3A_134 = arith.mulf %add3A_129, %rsqrt3A_133 : vector<2048x1024xf32>
    %jit3A_135 = arith.constant 0.000000e+00 : f32
    %broadcast_in_dim3A_136 = vector.broadcast %jit3A_135 : f32 to vector<2048x1024xf32>
    %select_n3A_137 = arith.select %le3A_132, %broadcast_in_dim3A_136, %mul3A_134 : vector<2048x1024xi1>, vector<2048x1024xf32>
    %reduce_min3A_138 = arith.constant dense<0x7F800000> : vector<1024xf32>
    %reduce_min3A_139 = vector.multi_reduction <minimumf>, %select_n3A_137, %reduce_min3A_138 [0] : vector<2048x1024xf32> to vector<1024xf32>
    %broadcast_in_dim3A_140 = vector.shape_cast %reduce_min3A_139 : vector<1024xf32> to vector<1x1024xf32>
    %eq3A_141 = vector.broadcast %broadcast_in_dim3A_140 : vector<1x1024xf32> to vector<2048x1024xf32>
    %eq3A_142 = arith.cmpf oeq, %select_n3A_137, %eq3A_141 : vector<2048x1024xf32>
    %jit3A_143 = arith.constant 1073741824 : i32
    %broadcast_in_dim3A_144 = vector.broadcast %jit3A_143 : i32 to vector<2048x1024xi32>
    %select_n3A_145 = arith.select %eq3A_142, %iota3A, %broadcast_in_dim3A_144 : vector<2048x1024xi1>, vector<2048x1024xi32>
    %reduce_min3A_146 = arith.constant dense<2147483647> : vector<1024xi32>
    %reduce_min3A_147 = vector.multi_reduction <minsi>, %select_n3A_145, %reduce_min3A_146 [0] : vector<2048x1024xi32> to vector<1024xi32>
    %broadcast_in_dim3A_148 = vector.shape_cast %reduce_min3A_147 : vector<1024xi32> to vector<1x1024xi32>
    %add3A_149 = arith.constant 6144 : i32
    %add3A_150 = vector.broadcast %add3A_149 : i32 to vector<1x1024xi32>
    %add3A_151 = arith.addi %broadcast_in_dim3A_148, %add3A_150 : vector<1x1024xi32>
    %lt3A_152 = arith.cmpf olt, %broadcast_in_dim3A_140, %select_n3A_117 : vector<1x1024xf32>
    %select_n3A_153 = arith.select %lt3A_152, %add3A_151, %select_n3A_116 : vector<1x1024xi1>, vector<1x1024xi32>
    %reshape3A = vector.shape_cast %select_n3A_153 : vector<1x1024xi32> to vector<1x1x1024xi32>
    %swap3A = arith.constant 0 : index
    %swap3A_154 = arith.constant 0 : index
    %swap3A_155 = arith.constant 0 : index
    %swap3A_156 = vector.load %arg4[%swap3A, %swap3A_154, %swap3A_155] : memref<1x1x1024xi32, #tpu.memory_space<vmem>>, vector<1x1x1024xi32>
    tpu.vector_store %arg4[%swap3A, %swap3A_154, %swap3A_155], %reshape3A {strides = array<i32>} : memref<1x1x1024xi32, #tpu.memory_space<vmem>>, vector<1x1x1024xi32>,
    return
  }
  func.func @transform_0(%arg0: i32) -> (i32, i32) {
    %c0_i32 = arith.constant 0 : i32
    %c0_i32_0 = arith.constant 0 : i32
    return %c0_i32, %arg0 : i32, i32
  }
  func.func @transform_1(%arg0: i32) -> (i32, i32) {
    %c0_i32 = arith.constant 0 : i32
    %c0_i32_0 = arith.constant 0 : i32
    %c0_i32_1 = arith.constant 0 : i32
    return %c0_i32, %c0_i32_0 : i32, i32
  }
  func.func @transform_2(%arg0: i32) -> (i32, i32) {
    %c0_i32 = arith.constant 0 : i32
    %c0_i32_0 = arith.constant 0 : i32
    %c0_i32_1 = arith.constant 0 : i32
    return %c0_i32, %c0_i32_0 : i32, i32
  }
  func.func @transform_3(%arg0: i32) -> (i32, i32, i32) {
    %c0_i32 = arith.constant 0 : i32
    %c0_i32_0 = arith.constant 0 : i32
    %c0_i32_1 = arith.constant 0 : i32
    return %arg0, %c0_i32, %c0_i32_0 : i32, i32, i32
  }
}

module attributes {stable_mosaic.version = 14 : i64} {
  func.func @_loss_body(%arg0: i32, %arg1: memref<1024x32xf32, #tpu.memory_space<vmem>>, %arg2: memref<1024x128xf32, #tpu.memory_space<vmem>>, %arg3: memref<1x1xf32, #tpu.memory_space<smem>>) attributes {dimension_semantics = [#tpu.dimension_semantics<arbitrary>], iteration_bounds = array<i64: 16>, scalar_prefetch = 0 : i64, scratch_operands = 0 : i64, tpu.core_type = #tpu.core_type<tc>, window_params = [{transform_indices = @transform_0, window_bounds = array<i64: 1024, 32>}, {transform_indices = @transform_1, window_bounds = array<i64: 1024, 128>}, {transform_indices = @transform_2, window_bounds = array<i64: 1, 1>}]} {
    %get3A = arith.constant 0 : index
    %get3A_0 = arith.constant 0 : index
    %get3A_1 = vector.load %arg1[%get3A, %get3A_0] : memref<1024x32xf32, #tpu.memory_space<vmem>>, vector<1024x32xf32>
    %get3A_2 = arith.constant 0 : index
    %get3A_3 = arith.constant 0 : index
    %get3A_4 = vector.load %arg2[%get3A_2, %get3A_3] : memref<1024x128xf32, #tpu.memory_space<vmem>>, vector<1024x128xf32>
    %slice3A = vector.extract_strided_slice %get3A_4 {offsets = [0, 0], sizes = [1024, 32], strides = [1, 1]} : vector<1024x128xf32> to vector<1024x32xf32>
    %sub3A = arith.subf %get3A_1, %slice3A : vector<1024x32xf32>
    %mul3A = arith.mulf %sub3A, %sub3A : vector<1024x32xf32>
    %reduce_sum3A = vector.shape_cast %mul3A : vector<1024x32xf32> to vector<1x1024x32xf32>
    %reduce_sum3A_5 = arith.constant dense<0.000000e+00> : vector<1xf32>
    %reduce_sum3A_6 = vector.multi_reduction <add>, %reduce_sum3A, %reduce_sum3A_5 [1, 2] : vector<1x1024x32xf32> to vector<1xf32>
    %reduce_sum3A_7 = vector.shape_cast %reduce_sum3A_6 : vector<1xf32> to vector<1x1x1xf32>
    %reduce_sum3A_8 = vector.extract %reduce_sum3A_7[0, 0, 0] : f32 from vector<1x1x1xf32>
    %eq3A = arith.constant 0 : i32
    %eq3A_9 = arith.cmpi eq, %arg0, %eq3A : i32
    %convert_element_type3A = arith.extui %eq3A_9 : i1 to i32
    %cond3A = arith.constant 0 : i32
    %cond3A_10 = arith.cmpi ne, %convert_element_type3A, %cond3A : i32
    scf.if %cond3A_10 {
      %swap3A = arith.constant 0 : index
      %swap3A_15 = arith.constant 0 : index
      %swap3A_16 = memref.load %arg3[%swap3A, %swap3A_15] : memref<1x1xf32, #tpu.memory_space<smem>>
      memref.store %reduce_sum3A_8, %arg3[%swap3A, %swap3A_15] : memref<1x1xf32, #tpu.memory_space<smem>>
    } else {
    }
    %ne3A = arith.constant 0 : i32
    %ne3A_11 = arith.cmpi ne, %arg0, %ne3A : i32
    %convert_element_type3A_12 = arith.extui %ne3A_11 : i1 to i32
    %cond3A_13 = arith.constant 0 : i32
    %cond3A_14 = arith.cmpi ne, %convert_element_type3A_12, %cond3A_13 : i32
    scf.if %cond3A_14 {
      %get3A_15 = arith.constant 0 : index
      %get3A_16 = arith.constant 0 : index
      %get3A_17 = memref.load %arg3[%get3A_15, %get3A_16] : memref<1x1xf32, #tpu.memory_space<smem>>
      %add3A = arith.addf %get3A_17, %reduce_sum3A_8 : f32
      %swap3A = arith.constant 0 : index
      %swap3A_18 = arith.constant 0 : index
      %swap3A_19 = memref.load %arg3[%swap3A, %swap3A_18] : memref<1x1xf32, #tpu.memory_space<smem>>
      memref.store %add3A, %arg3[%swap3A, %swap3A_18] : memref<1x1xf32, #tpu.memory_space<smem>>
    } else {
    }
    return
  }
  func.func @transform_0(%arg0: i32) -> (i32, i32) {
    %c0_i32 = arith.constant 0 : i32
    %c0_i32_0 = arith.constant 0 : i32
    return %arg0, %c0_i32 : i32, i32
  }
  func.func @transform_1(%arg0: i32) -> (i32, i32) {
    %c0_i32 = arith.constant 0 : i32
    %c0_i32_0 = arith.constant 0 : i32
    return %arg0, %c0_i32 : i32, i32
  }
  func.func @transform_2(%arg0: i32) -> (i32, i32) {
    %c0_i32 = arith.constant 0 : i32
    %c0_i32_0 = arith.constant 0 : i32
    %c0_i32_1 = arith.constant 0 : i32
    return %c0_i32, %c0_i32_0 : i32, i32
  }
}

</mosaic_0001>

<sc_bundles>
// kernel: kernel.6.cloned.1.call-start
scs
__scs_entry_jumppad:
0x0: {  	(pc) =	sbr.rel $0x88, $3  }
0x1: {  	(tag) =	ssettag $0x0;
	lr =	simm.s32 $0x1  }
0x2: {  	[smem:$0x3F9F] =	sst lr;
	_ =	strace $0xD0000000  }
0x3: {  	_ = 	snop  }
0x4: {  	_ = 	snop  }
0x5: {  	_ = 	snop  }
0x6: {  	_ = 	snop  }
0x7: {  	_ = 	snop  }
__scs_overlays_trampoline_lowered:
0x8: {  	[smem:$0x3FAE] =	sst s0  }
0x9: {  	[smem:$0x3FAF] =	sst s1  }
0xa: {  	[smem:$0x3FB0] =	sst s2  }
0xb: {  	[smem:$0x3FB1] =	sst s3  }
0xc: {  	[smem:$0x3FB2] =	sst s4  }
0xd: {  	[smem:$0x3FB3] =	sst s5  }
0xe: {  	[smem:$0x3FB4] =	sst s6  }
0xf: {  	[smem:$0x3FB5] =	sst s7  }
0x10: {  	[smem:$0x3FB6] =	sst s8  }
0x11: {  	[smem:$0x3FB7] =	sst s9;
	s0 =	simm.s32 @!p0 $0x0  }
0x12: {  	s1 =	sld [smem:$0x3F9D];
	s0 =	simm.s32 @p0 $0x1  }
0x13: {  	[smem:$0x3FB8] =	sst s0;
	s0 =	simm.s32 @!p1 $0x0  }
0x14: {  	s2 =	sld [smem:$0x3F9C];
	s0 =	simm.s32 @p1 $0x1  }
0x15: {  	[smem:$0x3FB9] =	sst s0;
	s0 =	simm.s32 @!p2 $0x0  }
0x16: {  	s3 =	sld [smem:$0x3FDB];
	s0 =	simm.s32 @p2 $0x1  }
0x17: {  	s4 =	simm.s32 $0x1BF5;
	[smem:$0x3FBB] =	sst s0  }
0x18: {  	s0 =	sld [smem:$0x3F9E];
	_ =	swait.ge [sflag:s4], $0x0  }
0x19: {  	s7 =	sld [smem:$0x3F9F]  }
0x1a: {  	s8 =	sadd.s32 $0xFFFFE003, lr  }
0x1b: {  	s9 =	sadd.s32 $0xFFFFFEF7, lr;
	s5 =	simm.s32 $0xFFFFFFFF;
	p2 =	slt.u32 s8, $0xFFFFF086  }
0x1c: {  	p1 =	slt.u32 s9, $0xF7A;
	s5 =	simm.s32 @!p2 $0x0  }
0x1d: {  	s5 =	simm.s32 @p1 $0x1;
	p0 =	seq.s32 s7, s2  }
0x1e: {  	s7 =	smul.u32 @!p0 $0xF7A, s2;
	p2 =	seq.s32 @!p0 s5, $0x0  }
0x1f: {  	s9 =	smul.u32 $0xF7A, s1;
	s8 =	simm.s32 @!p0 $0x1BF5;
	p2 =	por !p2, p0  }
0x20: {  	[sflag:s8] =	ssyncset.s32 @!p0 $0xFFFFF086;
	s6 =	sadd.s32 @!p0 s3, s7;
	s7 =	simm.s32 @!p0 $0x108  }
0x21: {  	s3 =	sadd.s32 s3, s9;
	s6 =	sadd.s32 @!p0 $0x88, s6;
	s7 =	simm.s32 @p2 $0x1082  }
0x22: {  	[simem:s7], [sflag:s8] =	dma.local @!p0 [hbm:s6], $0xF7A  }
0x23: {  	s9 =	sor.u32 $0xD0000000, s2;
	s6 =	simm.s32 $0x108;
	_ =	swait.ge @!p0 [sflag:s8], $0x0  }
0x24: {  	s3 =	sadd.s32 $0x88, s3;
	s6 =	simm.s32 @!p1 $0x1082;
	[sflag:s4] =	ssyncset.s32 $0xFFFFF086  }
0x25: {  	[simem:s6], [sflag:s4] =	dma.local [hbm:s3], $0xF7A  }
0x26: {  	[smem:$0x3F9F] =	sst s1;
	(tag) =	ssettag s2;
	_ =	strace s9  }
0x27: {  	s1 =	sld [smem:$0x3FAF]  }
0x28: {  	s2 =	sld [smem:$0x3FB0]  }
0x29: {  	s4 =	sld [smem:$0x3FB2]  }
0x2a: {  	p0 =	seq.s32 s5, $0x0;
	s5 =	sld [smem:$0x3FB3]  }
0x2b: {  	s6 =	sld [smem:$0x3FB4]  }
0x2c: {  	s7 =	sld [smem:$0x3FB5]  }
0x2d: {  	s3 =	simm.s32 $0x108;
	s8 =	sld [smem:$0x3FB6]  }
0x2e: {  	s3 =	simm.s32 @!p0 $0x1082;
	s9 =	sld [smem:$0x3FB7]  }
0x2f: {  	lr =	sadd.s32 s0, s3;
	s0 =	sld [smem:$0x3FAE]  }
0x30: {  	s3 =	sld [smem:$0x3FB1]  }
0x31: {  	[smem:$0x3FBA] =	sst s10  }
0x32: {  	s10 =	sld [smem:$0x3FB8];
	_ =	sdelay $0x3  }
0x33: {  	p0 =	seq.s32 s10, $0x1;
	s10 =	sld [smem:$0x3FBA];
	_ =	sdelay $0x3  }
0x34: {  	[smem:$0x3FBA] =	sst s10  }
0x35: {  	s10 =	sld [smem:$0x3FB9];
	_ =	sdelay $0x3  }
0x36: {  	p1 =	seq.s32 s10, $0x1;
	s10 =	sld [smem:$0x3FBA];
	_ =	sdelay $0x3  }
0x37: {  	[smem:$0x3FBA] =	sst s10  }
0x38: {  	s10 =	sld [smem:$0x3FBB]  }
0x39: {  	_ = 	snop;
	(pc) =	sbr.ind lr, $3  }
0x3a: {  	_ = 	snop  }
0x3b: {  	_ = 	snop  }
0x3c: {  	p2 =	seq.s32 s10, $0x1;
	s10 =	sld [smem:$0x3FBA]  }
0x3d: {  	_ =	shalt  }
0x3e: {  	_ =	shalt  }
0x3f: {  	_ =	shalt  }
0x40: {  	_ =	shalt  }
0x41: {  	_ =	shalt  }
0x42: {  	_ =	shalt  }
0x43: {  	_ =	shalt  }
0x44: {  	_ =	shalt  }
0x45: {  	_ =	shalt  }
0x46: {  	_ =	shalt  }
0x47: {  	_ =	shalt  }
0x48: {  	_ =	shalt  }
0x49: {  	_ =	shalt  }
0x4a: {  	_ =	shalt  }
0x4b: {  	_ =	shalt  }
0x4c: {  	_ =	shalt  }
0x4d: {  	_ =	shalt  }
0x4e: {  	_ =	shalt  }
0x4f: {  	_ =	shalt  }
0x50: {  	_ =	shalt  }
0x51: {  	_ =	shalt  }
0x52: {  	_ =	shalt  }
0x53: {  	_ =	shalt  }
0x54: {  	_ =	shalt  }
0x55: {  	_ =	shalt  }
0x56: {  	_ =	shalt  }
0x57: {  	_ =	shalt  }
0x58: {  	_ =	shalt  }
0x59: {  	_ =	shalt  }
0x5a: {  	_ =	shalt  }
0x5b: {  	_ =	shalt  }
0x5c: {  	_ =	shalt  }
0x5d: {  	_ =	shalt  }
0x5e: {  	_ =	shalt  }
0x5f: {  	_ =	shalt  }
0x60: {  	_ =	shalt  }
0x61: {  	_ =	shalt  }
0x62: {  	_ =	shalt  }
0x63: {  	_ =	shalt  }
0x64: {  	_ =	shalt  }
0x65: {  	_ =	shalt  }
0x66: {  	_ =	shalt  }
0x67: {  	_ =	shalt  }
0x68: {  	_ =	shalt  }
0x69: {  	_ =	shalt  }
0x6a: {  	_ =	shalt  }
0x6b: {  	_ =	shalt  }
0x6c: {  	_ =	shalt  }
0x6d: {  	_ =	shalt  }
0x6e: {  	_ =	shalt  }
0x6f: {  	_ =	shalt  }
0x70: {  	_ =	shalt  }
0x71: {  	_ =	shalt  }
0x72: {  	_ =	shalt  }
0x73: {  	_ =	shalt  }
0x74: {  	_ =	shalt  }
0x75: {  	_ =	shalt  }
0x76: {  	_ =	shalt  }
0x77: {  	_ =	shalt  }
0x78: {  	_ =	shalt  }
0x79: {  	_ =	shalt  }
0x7a: {  	_ =	shalt  }
0x7b: {  	_ =	shalt  }
0x7c: {  	_ =	shalt  }
0x7d: {  	_ =	shalt  }
0x7e: {  	_ =	shalt  }
0x7f: {  	_ =	shalt  }
0x80: {  	_ =	shalt  }
0x81: {  	_ =	shalt  }
0x82: {  	_ =	shalt  }
0x83: {  	_ =	shalt  }
0x84: {  	_ =	shalt  }
0x85: {  	_ =	shalt  }
0x86: {  	_ =	shalt  }
0x87: {  	_ =	shalt  }
.Lfunc_end0:
.L_simem_size_0:
called_computation_lowered:
.L_overlay_start_0:
0x88: {  	s2 =	sld [smem:$0x3FD9]  }
0x89: {  	s3 =	sld [smem:$0x3FFE];
	_ =	sdelay $0x1  }
0x8a: {  	s1 =	srdreg.scid  }
0x8b: {  	s0 =	sand.u32 $0x1, s1  }
0x8c: {  	s14 =	sshll.u32 s0, $0xA;
	s2 =	sadd.s32 s3, s2  }
0x8d: {  	s2 =	sadd.s32 s2, s14  }
0x8e: {  	[smem:$0x3FC6] =	sst s2  }
0x8f: {  	_ = 	snop  }
0x90: {  	s2 =	sld [smem:$0x3FD0];
	_ =	sdelay $0x2  }
0x91: {  	s15 =	simm.s32 $0xA;
	s4 =	simm.s32 $0x10  }
0x92: {  	[smem:s4], [sflag:s15] =	dma.local [hbm:s2], $0x1  }
0x93: {  	_ =	swait.eq [sflag:s15], $0x1  }
0x94: {  	[sflag:s15] =	ssyncset.done $0x0  }
0x95: {  	[sflag:s15] =	ssyncadd.s32 $0xFFFFFFFF  }
0x96: {  	s16 =	sld [smem:$0x10];
	(tm) =	ssettm $0x1  }
0x97: {  	s17 =	sld [smem:$0x3FFB];
	_ =	sdelay $0x3  }
0x98: {  	_ =	strace s17  }
0x99: {  	s3 =	sld [smem:$0x3FFC];
	_ =	sdelay $0x3  }
0x9a: {  	_ =	strace s3  }
0x9b: {  	s3 =	sld [smem:$0x3FFD];
	_ =	sdelay $0x3  }
0x9c: {  	_ =	strace s3  }
0x9d: {  	_ =	strace $0x8FFFFFFF  }
0x9e: {  	s18 =	sld [smem:$0x3FDB];
	_ =	sdelay $0x1  }
0x9f: {  	s19 =	simm.s32 $_scs_section_size  }
0xa0: {  	s5 =	simm.s32 $_size__tile_overlayer_lowered;
	s6 =	simm.s32 $_tile_overlayer_lowered  }
0xa1: {  	s22 =	simm.s32 $0x1BFF;
	s21 =	sshll.u32 s6, $0x1;
	s3 =	sadd.s32 s19, s18  }
0xa2: {  	s7 =	simm.s32 $0x0;
	s20 =	sshll.u32 s5, $0x1;
	s5 =	sadd.s32 s21, s3  }
0xa3: {  	[timem:s7], [sflag:s22] =	dma.local [hbm:s5], s20  }
0xa4: {  	_ =	swait.ge [sflag:s22], s20  }
0xa5: {  	s4 =	ssub.s32 $0x0, s20;
	[sflag:s22] =	ssyncset.done $0x0  }
0xa6: {  	[sflag:s22] =	ssyncadd.s32 s4;
	_ =	sdelay $0x1  }
0xa7: {  	s23 =	simm.s32 $0x1B8B  }
0xa8: {  	_ =	swait.ge [sflag:s23], $0x1  }
0xa9: {  	[sflag:s23] =	ssyncset.done $0x0  }
0xaa: {  	s25 =	simm.s32 $0x1B8E;
	s24 =	sld [smem:$0x3FFE];
	[sflag:s23] =	ssyncadd.s32 $0xFFFFFFFF  }
0xab: {  	s26 =	simm.s32 $execute0_lowered;
	[smem:$0x3FD2] =	sst s25  }
0xac: {  	s5 =	sshll.u32 s26, $0x1;
	_ =	strace $0x80000046;
	[dreg:$0x1] =	wrdreg $0xFFFFFFFF  }
0xad: {  	s28 =	simm.s32 $_size_execute0_lowered;
	s3 =	sadd.s32 s3, s5;
	[dreg:$0x0] =	wrdreg $0x0  }
0xae: {  	s5 =	sshll.u32 s28, $0x1;
	[dreg:$0x2] =	wrdreg s3  }
0xaf: {  	[dreg:$0x3] =	wrdreg s5  }
0xb0: {  	[dreg:$0x4] =	wrdreg $0xC0  }
0xb1: {  	_ =	task [dreg:s7], $0x5FFFF  }
0xb2: {  	[dreg:$0x1] =	wrdreg $0xFFFFFFFF  }
0xb3: {  	[dreg:$0x0] =	wrdreg $0x60  }
0xb4: {  	[dreg:$0x2] =	wrdreg s24  }
0xb5: {  	[dreg:$0x3] =	wrdreg s16  }
0xb6: {  	[dreg:$0x4] =	wrdreg $0x9  }
0xb7: {  	_ =	task.clear_ibuf [dreg:s7], $0x5FFFF;
	_ =	strace $0x90000046  }
0xb8: {  	s29 =	simm.s32 $0x9;
	_ =	strace $0x80000048  }
0xb9: {  	_ =	swait.ge [sflag:s29], $0x1  }
0xba: {  	[sflag:s29] =	ssyncadd.s32 $0xFFFFFFFF  }
0xbb: {  	_ =	strace $0x90000048  }
0xbc: {  	_ =	sfence  }
0xbd: {  	s30 =	sld [smem:$0x0];
	_ =	sdelay $0x2  }
0xbe: {  	s31 =	sshll.u32 s1, $0xD;
	s1 =	sshrl.u32 s1, $0x2  }
0xbf: {  	s3 =	sand.u32 $0x4000, s31;
	s1 =	sadd.s32 s1, s30  }
0xc0: {  	s0 =	sor.u32 s3, s0;
	s1 =	sshll.u32 s1, $0x11  }
0xc1: {  	s0 =	sor.u32 s1, s0  }
0xc2: {  	s0 =	sadd.s32 $0x8F2B, s0  }
0xc3: {  	[sflag:s0] =	ssyncadd.remote.s32 $0x1  }
0xc4: {  	_ =	sfence.sel $0xFFFF  }
0xc5: {  	[dreg:$0x0] =	wrdreg $0xFFFFFFFF;
	(pc) =	sbr.abs _section_cstart, $3  }
0xc6: {  	[dreg:$0x1] =	wrdreg $0xFFFFFFFF  }
0xc7: {  	_ =	task.clear_ibuf [dreg:s7], $0x2FFFF;
	_ =	strace $0x9FFFFFFF  }
0xc8: {  	(tm) =	ssettm $0x7FFFFFFF  }
0xc9: {  	_ =	shalt  }
tec
execute0_lowered:
.L_overlay_start_1:
0x0: {  	(tag) =	ssettag $0x1  }
0x1: {  	s1 =	srdreg.scid  }
0x2: {  	s8 =	rddreg [dreg:$0x0];
	s0 =	stileid.u32  }
0x3: {  	s3 =	rddreg [dreg:$0x1];
	s2 =	simm.s32 $0x0;
	s6 =	sand.u32 $0x1, s1  }
0x4: {  	s4 =	sshll.u32 s0, $0xA;
	s1 =	rddreg [dreg:$0x2];
	s5 =	sshll.u32 s6, $0x9  }
0x5: {  	s7 =	simm.s32 $0x1;
	[smem:$0x7FF] =	sst s2;
	s9 =	sor.u32 s5, s4  }
0x6: {  	_ =	strace $0x80000047;
	s10 =	ssub.s32 $0x2, s6;
	s4 =	sshrl.u32 s9, $0x3  }
0x7: {  	s6 =	simm.s32 $0x200;
	s4 =	sadd.s32 s3, s4;
	s3 =	simm.s32 $0x2  }
0x8: {  	[tilespmem:s2], [sflag:$0x2] =	stream.linear.gather [hbm4b:s4+s2], $0x200, $0x38;
	[tilespmem:$0x10200] =	vst v63  }
0x9: {  	s5 =	sadd.s32 $0xE00, s8;
	s11 =	sshrl.u32 s10, $0x1;
	_ =	swait.ge [sflag:s3], $0x200  }
0xa: {  	s9 =	sshll.u32 s9, $0x4;
	s31 =	ssub.s32 s10, s11;
	[sflag:s3] =	ssyncset.done $0x0  }
0xb: {  	s8 =	sadd.s32 s9, s8;
	s9 =	smax.u32 s31, $0x1;
	[sflag:s3] =	ssyncadd.s32 $0xFFFFFE00  }
0xc: {  	[tilespmem:s6], [sflag:$0x1] =	stream.indirect.gather [hbm4b:s5+s6], $0x80, s2, s6, $0xb8;
	[tilespmem:$0x10200] =	vst v63  }
0xd: {  	p0 =	sne.s32 s9, $0x1;
	_ =	swait.ge [sflag:s7], $0x10000  }
.Ltmp0:
0xe: {  	[sflag:s7] =	ssyncset.done $0x0;
	(pc) =	sbr.rel @!p0 .LBB2_2-.Ltmp0, $4  }
0xf: {  	s8 =	sadd.s32 $0x20E00, s8;
	[sflag:s7] =	ssyncadd.s32 $0xFFFF0000  }
0x10: {  	[hbm4b:s8+s2] =	stream.linear.scatter [tilespmem:s6], [sflag:$0x2], $0x10000, $0x38;
	[tilespmem:$0x10200] =	vst v63  }
0x11: {  	_ =	swait.ge [sflag:s3], $0x10000  }
0x12: {  	s9 =	sadd.s32 $0xFFFFFFFF, s9;
	[sflag:s3] =	ssyncset.done $0x0  }
.LBB2_1:
0x13: {  	p0 =	sne.s32 s9, $0x1;
	s9 =	sadd.s32 $0xFFFFFFFF, s9;
	[sflag:s3] =	ssyncadd.s32 $0xFFFF0000  }
0x14: {  	[tilespmem:s2], [sflag:$0x2] =	stream.linear.gather [hbm4b:s4+s2], $0x200, $0x38;
	[tilespmem:$0x10200] =	vst v63  }
0x15: {  	_ =	swait.ge [sflag:s3], $0x200  }
0x16: {  	[sflag:s3] =	ssyncset.done $0x0  }
0x17: {  	[sflag:s3] =	ssyncadd.s32 $0xFFFFFE00  }
0x18: {  	[tilespmem:s6], [sflag:$0x1] =	stream.indirect.gather [hbm4b:s5+s6], $0x80, s2, s6, $0xb8;
	[tilespmem:$0x10200] =	vst v63  }
0x19: {  	_ =	swait.ge [sflag:s7], $0x10000  }
.Ltmp1:
0x1a: {  	[sflag:s7] =	ssyncset.done $0x0;
	(pc) =	sbr.rel @p0 .LBB2_1-.Ltmp1, $4  }
0x1b: {  	[sflag:s7] =	ssyncadd.s32 $0xFFFF0000  }
0x1c: {  	[hbm4b:s8+s2] =	stream.linear.scatter [tilespmem:s6], [sflag:$0x2], $0x10000, $0x38;
	[tilespmem:$0x10200] =	vst v63  }
0x1d: {  	_ =	swait.ge [sflag:s3], $0x10000  }
0x1e: {  	[sflag:s3] =	ssyncset.done $0x0  }
.LBB2_2:
0x1f: {  	[sflag:s3] =	ssyncadd.s32 $0xFFFF0000  }
0x20: {  	_ =	sfence.sel $0x180000  }
0x21: {  	[bflag:$0x0] =	sbarrier.arrive $0xFFFF  }
0x22: {  	p0 =	sne.s32 s0, $0x0;
	_ =	strace $0x90000047  }
0x23: {  	s0 =	sadd.s32 @!p0 $0x100000, s1;
	[bflag:$0x2] =	sbarrier.arrive $0xFFFF  }
0x24: {  	[sflag:s0] =	ssyncadd.tile.s32 @!p0 $0x1;
	_ =	shalt  }
.Lfunc_end2:
_tile_overlayer_lowered:
.L_overlay_start_2:
0x25: {  	(tag) =	ssettag $0x2  }
0x26: {  	s0 =	rddreg [dreg:$0x0];
	s2 =	stileid.u32  }
0x27: {  	s1 =	rddreg [dreg:$0x1];
	p0 =	sne.s32 s2, $0x0  }
0x28: {  	s3 =	rddreg [dreg:$0x2];
	[bflag:$0x3] =	sbarrier.arrive $0xFFFF;
	s2 =	simm.s32 @!p0 $0x1C02  }
0x29: {  	[timem:s3], [sflag:s2] =	dma.local @!p0 [hbm:s0], s1  }
0x2a: {  	s0 =	simm.s32 @!p0 $0x2  }
0x2b: {  	_ =	swait.ge @!p0 [sflag:s0], s1  }
0x2c: {  	s1 =	ssub.s32 @!p0 $0x0, s1;
	[sflag:s0] =	ssyncset.done @!p0 $0x0  }
0x2d: {  	[sflag:s0] =	ssyncadd.s32 @!p0 s1  }
0x2e: {  	[bflag:$0x3] =	sbarrier.arrive $0xFFFF  }
0x2f: {  	_ =	shalt  }

</sc_bundles>
